<compile_context>
chip_gen: v7x
topology: tpu7x:2x2x1
jax: 0.10.2.dev20260603
libtpu: 0.0.44.dev20260713+nightly
codegen_flags: <defaults>
</compile_context>

<pallas_src>
import functools

import jax
import jax.numpy as jnp
from jax import lax
from jax.experimental import pallas as pl
from jax.experimental.pallas import tpu as pltpu
from jax.experimental.pallas import tpu_sc as plsc

_ALPHA = 4
_IDX = (0, 4, 8, 12, 16, 21, 25, 29, 33, 37, 42, 46, 50, 54, 58, 63)
_C, _T, _H, _W = 3, 64, 224, 224
_TS = _T // _ALPHA
_HHALF = _H // 2
_NPIECE = _C * _TS * 2
_NWORKER = 32
_PER_W = _NPIECE // _NWORKER


def _tc_body(x_ref, fast_ref, sem):
    c = pl.program_id(0)
    cp = pltpu.make_async_copy(x_ref.at[0], fast_ref.at[c], sem)
    cp.start()
    cp.wait()


def _fast_copy(frames):
    return pl.pallas_call(
        _tc_body,
        grid=(_C,),
        in_specs=[pl.BlockSpec((1, _T, _H, _W), lambda c: (c, 0, 0, 0))],
        out_specs=pl.BlockSpec(memory_space=pl.ANY),
        out_shape=jax.ShapeDtypeStruct((_C, _T, _H, _W), frames.dtype),
        scratch_shapes=[pltpu.SemaphoreType.DMA],
    )(frames)


def _sc_body(x_hbm, slow_hbm, buf):
    wid = lax.axis_index("s") * 2 + lax.axis_index("c")
    for i in range(_PER_W):
        p = wid * _PER_W + i
        c = p // (_TS * 2)
        r = p % (_TS * 2)
        j = r // 2
        h = r % 2
        g = (63 * j) // 15
        pltpu.sync_copy(x_hbm.at[c, g, pl.ds(h * _HHALF, _HHALF)], buf)
        pltpu.sync_copy(buf, slow_hbm.at[c, j, pl.ds(h * _HHALF, _HHALF)])


def _slow_gather(frames):
    mesh = plsc.VectorSubcoreMesh(core_axis_name="c", subcore_axis_name="s")
    k = functools.partial(
        pl.kernel,
        mesh=mesh,
        out_type=jax.ShapeDtypeStruct((_C, _TS, _H, _W), frames.dtype),
        scratch_types=[pltpu.VMEM((_HHALF, _W), jnp.float32)],
    )(_sc_body)
    return k(frames)


def kernel(frames):
    slow = _slow_gather(frames)
    fast = _fast_copy(frames)
    return (slow, fast)

# --- scband reference (transcript-rebuilt; emitter-appended) ---
"""Pipeline reference for scband-slow-fast-pathway-61426622267661 (READ-ONLY COPY).

The authoritative reference and input builder live on the scoring server;
editing this copy changes nothing except your own understanding.
"""

import jax, jax.numpy as jnp
import numpy as np

SLOWFAST_ALPHA = 4

def setup_inputs(seed: int = 0) -> dict:
    key = jax.random.key(seed)
    frames = jax.random.normal(key, (3, 64, 224, 224), dtype=jnp.float32)
    return {"frames": frames}

def reference(frames):
    # fast pathway: all frames
    fast_pathway = frames
    # slow pathway: temporal subsample on dim 1 via linspace indices (truncated to int, like .long())
    T = frames.shape[1]
    idx = jnp.linspace(0.0, T - 1, T // SLOWFAST_ALPHA).astype(jnp.int32)
    slow_pathway = jnp.take(frames, idx, axis=1)
    return (slow_pathway, fast_pathway)

if __name__ == "__main__":
    import jax
    _d = setup_inputs()
    print(jax.jit(kernel)(*tuple(_d.values())))

</pallas_src>

<mosaic_0001>
#map = affine_map<(d0, d1) -> (0, 0, 0, 0)>
module attributes {stable_mosaic.version = 14 : i64} {
  func.func @_sc_body(%arg0: i32, %arg1: i32, %arg2: memref<3x64x224x224xf32, #tpu.memory_space<hbm>>, %arg3: memref<3x16x224x224xf32, #tpu.memory_space<hbm>>, %arg4: memref<112x224xf32, #tpu.memory_space<vmem>>) attributes {dimension_semantics = [#tpu.dimension_semantics<core_parallel>, #tpu.dimension_semantics<subcore_parallel>], iteration_bounds = array<i64: 2, 16>, scalar_prefetch = 0 : i64, scratch_operands = 1 : i64, tpu.core_type = #tpu.core_type<sc_vector_subcore>, window_params = [{transform_indices = #map}, {transform_indices = #map}]} {
    %mul3A = arith.constant 2 : i32
    %mul3A_0 = arith.muli %arg1, %mul3A : i32
    %add3A = arith.addi %mul3A_0, %arg0 : i32
    %mul3A_1 = arith.constant 3 : i32
    %mul3A_2 = arith.muli %add3A, %mul3A_1 : i32
    %add3A_3 = arith.constant 0 : i32
    %add3A_4 = arith.addi %mul3A_2, %add3A_3 : i32
    %jit3A = arith.constant 32 : i32
    %div3A = arith.divsi %add3A_4, %jit3A : i32
    %sign3A = arith.constant 0 : i32
    %sign3A_5 = arith.cmpi sgt, %add3A_4, %sign3A : i32
    %sign3A_6 = arith.extui %sign3A_5 : i1 to i32
    %sign3A_7 = arith.constant 0 : i32
    %sign3A_8 = arith.cmpi slt, %add3A_4, %sign3A_7 : i32
    %sign3A_9 = arith.extui %sign3A_8 : i1 to i32
    %sign3A_10 = arith.subi %sign3A_6, %sign3A_9 : i32
    %sign3A_11 = arith.constant 0 : i32
    %sign3A_12 = arith.cmpi sgt, %jit3A, %sign3A_11 : i32
    %sign3A_13 = arith.extui %sign3A_12 : i1 to i32
    %sign3A_14 = arith.constant 0 : i32
    %sign3A_15 = arith.cmpi slt, %jit3A, %sign3A_14 : i32
    %sign3A_16 = arith.extui %sign3A_15 : i1 to i32
    %sign3A_17 = arith.subi %sign3A_13, %sign3A_16 : i32
    %ne3A = arith.cmpi ne, %sign3A_10, %sign3A_17 : i32
    %rem3A = arith.remsi %add3A_4, %jit3A : i32
    %ne3A_18 = arith.constant 0 : i32
    %ne3A_19 = arith.cmpi ne, %rem3A, %ne3A_18 : i32
    %and3A = arith.andi %ne3A, %ne3A_19 : i1
    %sub3A = arith.constant 1 : i32
    %sub3A_20 = arith.subi %div3A, %sub3A : i32
    %select_n3A = arith.select %and3A, %sub3A_20, %div3A : i32
    %jit3A_21 = arith.constant 32 : i32
    %eq3A = arith.constant 0 : i32
    %eq3A_22 = arith.cmpi eq, %jit3A_21, %eq3A : i32
    %jit3A_23 = arith.constant 1 : i32
    %select_n3A_24 = arith.select %eq3A_22, %jit3A_23, %jit3A_21 : i32
    %rem3A_25 = arith.remsi %add3A_4, %select_n3A_24 : i32
    %ne3A_26 = arith.constant 0 : i32
    %ne3A_27 = arith.cmpi ne, %rem3A_25, %ne3A_26 : i32
    %lt3A = arith.constant 0 : i32
    %lt3A_28 = arith.cmpi slt, %rem3A_25, %lt3A : i32
    %lt3A_29 = arith.constant 0 : i32
    %lt3A_30 = arith.cmpi slt, %select_n3A_24, %lt3A_29 : i32
    %ne3A_31 = arith.xori %lt3A_28, %lt3A_30 : i1
    %and3A_32 = arith.andi %ne3A_31, %ne3A_27 : i1
    %add3A_33 = arith.addi %rem3A_25, %select_n3A_24 : i32
    %select_n3A_34 = arith.select %and3A_32, %add3A_33, %rem3A_25 : i32
    %jit3A_35 = arith.constant 2 : i32
    %div3A_36 = arith.divsi %select_n3A_34, %jit3A_35 : i32
    %sign3A_37 = arith.constant 0 : i32
    %sign3A_38 = arith.cmpi sgt, %select_n3A_34, %sign3A_37 : i32
    %sign3A_39 = arith.extui %sign3A_38 : i1 to i32
    %sign3A_40 = arith.constant 0 : i32
    %sign3A_41 = arith.cmpi slt, %select_n3A_34, %sign3A_40 : i32
    %sign3A_42 = arith.extui %sign3A_41 : i1 to i32
    %sign3A_43 = arith.subi %sign3A_39, %sign3A_42 : i32
    %sign3A_44 = arith.constant 0 : i32
    %sign3A_45 = arith.cmpi sgt, %jit3A_35, %sign3A_44 : i32
    %sign3A_46 = arith.extui %sign3A_45 : i1 to i32
    %sign3A_47 = arith.constant 0 : i32
    %sign3A_48 = arith.cmpi slt, %jit3A_35, %sign3A_47 : i32
    %sign3A_49 = arith.extui %sign3A_48 : i1 to i32
    %sign3A_50 = arith.subi %sign3A_46, %sign3A_49 : i32
    %ne3A_51 = arith.cmpi ne, %sign3A_43, %sign3A_50 : i32
    %rem3A_52 = arith.remsi %select_n3A_34, %jit3A_35 : i32
    %ne3A_53 = arith.constant 0 : i32
    %ne3A_54 = arith.cmpi ne, %rem3A_52, %ne3A_53 : i32
    %and3A_55 = arith.andi %ne3A_51, %ne3A_54 : i1
    %sub3A_56 = arith.constant 1 : i32
    %sub3A_57 = arith.subi %div3A_36, %sub3A_56 : i32
    %select_n3A_58 = arith.select %and3A_55, %sub3A_57, %div3A_36 : i32
    %jit3A_59 = arith.constant 2 : i32
    %eq3A_60 = arith.constant 0 : i32
    %eq3A_61 = arith.cmpi eq, %jit3A_59, %eq3A_60 : i32
    %jit3A_62 = arith.constant 1 : i32
    %select_n3A_63 = arith.select %eq3A_61, %jit3A_62, %jit3A_59 : i32
    %rem3A_64 = arith.remsi %select_n3A_34, %select_n3A_63 : i32
    %ne3A_65 = arith.constant 0 : i32
    %ne3A_66 = arith.cmpi ne, %rem3A_64, %ne3A_65 : i32
    %lt3A_67 = arith.constant 0 : i32
    %lt3A_68 = arith.cmpi slt, %rem3A_64, %lt3A_67 : i32
    %lt3A_69 = arith.constant 0 : i32
    %lt3A_70 = arith.cmpi slt, %select_n3A_63, %lt3A_69 : i32
    %ne3A_71 = arith.xori %lt3A_68, %lt3A_70 : i1
    %and3A_72 = arith.andi %ne3A_71, %ne3A_66 : i1
    %add3A_73 = arith.addi %rem3A_64, %select_n3A_63 : i32
    %select_n3A_74 = arith.select %and3A_72, %add3A_73, %rem3A_64 : i32
    %mul3A_75 = arith.constant 63 : i32
    %mul3A_76 = arith.muli %mul3A_75, %select_n3A_58 : i32
    %jit3A_77 = arith.constant 15 : i32
    %div3A_78 = arith.divsi %mul3A_76, %jit3A_77 : i32
    %sign3A_79 = arith.constant 0 : i32
    %sign3A_80 = arith.cmpi sgt, %mul3A_76, %sign3A_79 : i32
    %sign3A_81 = arith.extui %sign3A_80 : i1 to i32
    %sign3A_82 = arith.constant 0 : i32
    %sign3A_83 = arith.cmpi slt, %mul3A_76, %sign3A_82 : i32
    %sign3A_84 = arith.extui %sign3A_83 : i1 to i32
    %sign3A_85 = arith.subi %sign3A_81, %sign3A_84 : i32
    %sign3A_86 = arith.constant 0 : i32
    %sign3A_87 = arith.cmpi sgt, %jit3A_77, %sign3A_86 : i32
    %sign3A_88 = arith.extui %sign3A_87 : i1 to i32
    %sign3A_89 = arith.constant 0 : i32
    %sign3A_90 = arith.cmpi slt, %jit3A_77, %sign3A_89 : i32
    %sign3A_91 = arith.extui %sign3A_90 : i1 to i32
    %sign3A_92 = arith.subi %sign3A_88, %sign3A_91 : i32
    %ne3A_93 = arith.cmpi ne, %sign3A_85, %sign3A_92 : i32
    %rem3A_94 = arith.remsi %mul3A_76, %jit3A_77 : i32
    %ne3A_95 = arith.constant 0 : i32
    %ne3A_96 = arith.cmpi ne, %rem3A_94, %ne3A_95 : i32
    %and3A_97 = arith.andi %ne3A_93, %ne3A_96 : i1
    %sub3A_98 = arith.constant 1 : i32
    %sub3A_99 = arith.subi %div3A_78, %sub3A_98 : i32
    %select_n3A_100 = arith.select %and3A_97, %sub3A_99, %div3A_78 : i32
    %mul3A_101 = arith.constant 112 : i32
    %mul3A_102 = arith.muli %select_n3A_74, %mul3A_101 : i32
    "tpu.region"() ({
      %run_scoped3A = tpu.sem_alloc : memref<!tpu.dma_semaphore, #tpu.memory_space<semaphore_mem>>
      %dma_start3A = arith.constant 0 : i32
      %dma_start3A_333 = tpu.memref_slice %arg2[%select_n3A, %select_n3A_100, %mul3A_102, %dma_start3A] : memref<3x64x224x224xf32, #tpu.memory_space<hbm>> -> memref<1x1x112x224xf32, #tpu.memory_space<hbm>>
      %dma_start3A_334 = tpu.memref_squeeze %dma_start3A_333 : memref<1x1x112x224xf32, #tpu.memory_space<hbm>> -> memref<112x224xf32, #tpu.memory_space<hbm>>
      %dma_start3A_335 = arith.constant 0 : i32
      %dma_start3A_336 = tpu.memref_slice %arg2[%select_n3A, %select_n3A_100, %mul3A_102, %dma_start3A_335] : memref<3x64x224x224xf32, #tpu.memory_space<hbm>> -> memref<1x1x112x224xf32, #tpu.memory_space<hbm>>
      %dma_start3A_337 = tpu.memref_squeeze %dma_start3A_336 : memref<1x1x112x224xf32, #tpu.memory_space<hbm>> -> memref<112x224xf32, #tpu.memory_space<hbm>>
      tpu.enqueue_dma source(%dma_start3A_337 : memref<112x224xf32, #tpu.memory_space<hbm>>) target(%arg4 : memref<112x224xf32, #tpu.memory_space<vmem>>) target_semaphore(%run_scoped3A : memref<!tpu.dma_semaphore, #tpu.memory_space<semaphore_mem>>)
      %dma_wait3A = arith.constant 0 : i32
      %dma_wait3A_338 = tpu.memref_slice %arg2[%select_n3A, %select_n3A_100, %mul3A_102, %dma_wait3A] : memref<3x64x224x224xf32, #tpu.memory_space<hbm>> -> memref<1x1x112x224xf32, #tpu.memory_space<hbm>>
      %dma_wait3A_339 = tpu.memref_squeeze %dma_wait3A_338 : memref<1x1x112x224xf32, #tpu.memory_space<hbm>> -> memref<112x224xf32, #tpu.memory_space<hbm>>
      %dma_wait3A_340 = arith.constant 0 : i32
      %dma_wait3A_341 = tpu.memref_slice %arg2[%select_n3A, %select_n3A_100, %mul3A_102, %dma_wait3A_340] : memref<3x64x224x224xf32, #tpu.memory_space<hbm>> -> memref<1x1x112x224xf32, #tpu.memory_space<hbm>>
      %dma_wait3A_342 = tpu.memref_squeeze %dma_wait3A_341 : memref<1x1x112x224xf32, #tpu.memory_space<hbm>> -> memref<112x224xf32, #tpu.memory_space<hbm>>
      tpu.wait_dma2 semaphore(%run_scoped3A : memref<!tpu.dma_semaphore, #tpu.memory_space<semaphore_mem>>) src(%dma_wait3A_342 : memref<112x224xf32, #tpu.memory_space<hbm>>) dst(%arg4 : memref<112x224xf32, #tpu.memory_space<vmem>>)
      tpu.yield
    }) : () -> ()
    %mul3A_103 = arith.constant 112 : i32
    %mul3A_104 = arith.muli %select_n3A_74, %mul3A_103 : i32
    "tpu.region"() ({
      %run_scoped3A = tpu.sem_alloc : memref<!tpu.dma_semaphore, #tpu.memory_space<semaphore_mem>>
      %dma_start3A = arith.constant 0 : i32
      %dma_start3A_333 = tpu.memref_slice %arg3[%select_n3A, %select_n3A_58, %mul3A_104, %dma_start3A] : memref<3x16x224x224xf32, #tpu.memory_space<hbm>> -> memref<1x1x112x224xf32, #tpu.memory_space<hbm>>
      %dma_start3A_334 = tpu.memref_squeeze %dma_start3A_333 : memref<1x1x112x224xf32, #tpu.memory_space<hbm>> -> memref<112x224xf32, #tpu.memory_space<hbm>>
      %dma_start3A_335 = arith.constant 0 : i32
      %dma_start3A_336 = tpu.memref_slice %arg3[%select_n3A, %select_n3A_58, %mul3A_104, %dma_start3A_335] : memref<3x16x224x224xf32, #tpu.memory_space<hbm>> -> memref<1x1x112x224xf32, #tpu.memory_space<hbm>>
      %dma_start3A_337 = tpu.memref_squeeze %dma_start3A_336 : memref<1x1x112x224xf32, #tpu.memory_space<hbm>> -> memref<112x224xf32, #tpu.memory_space<hbm>>
      tpu.enqueue_dma source(%arg4 : memref<112x224xf32, #tpu.memory_space<vmem>>) target(%dma_start3A_337 : memref<112x224xf32, #tpu.memory_space<hbm>>) target_semaphore(%run_scoped3A : memref<!tpu.dma_semaphore, #tpu.memory_space<semaphore_mem>>)
      %dma_wait3A = arith.constant 0 : i32
      %dma_wait3A_338 = tpu.memref_slice %arg3[%select_n3A, %select_n3A_58, %mul3A_104, %dma_wait3A] : memref<3x16x224x224xf32, #tpu.memory_space<hbm>> -> memref<1x1x112x224xf32, #tpu.memory_space<hbm>>
      %dma_wait3A_339 = tpu.memref_squeeze %dma_wait3A_338 : memref<1x1x112x224xf32, #tpu.memory_space<hbm>> -> memref<112x224xf32, #tpu.memory_space<hbm>>
      %dma_wait3A_340 = arith.constant 0 : i32
      %dma_wait3A_341 = tpu.memref_slice %arg3[%select_n3A, %select_n3A_58, %mul3A_104, %dma_wait3A_340] : memref<3x16x224x224xf32, #tpu.memory_space<hbm>> -> memref<1x1x112x224xf32, #tpu.memory_space<hbm>>
      %dma_wait3A_342 = tpu.memref_squeeze %dma_wait3A_341 : memref<1x1x112x224xf32, #tpu.memory_space<hbm>> -> memref<112x224xf32, #tpu.memory_space<hbm>>
      tpu.wait_dma2 semaphore(%run_scoped3A : memref<!tpu.dma_semaphore, #tpu.memory_space<semaphore_mem>>) src(%arg4 : memref<112x224xf32, #tpu.memory_space<vmem>>) dst(%dma_wait3A_342 : memref<112x224xf32, #tpu.memory_space<hbm>>)
      tpu.yield
    }) : () -> ()
    %mul3A_105 = arith.constant 3 : i32
    %mul3A_106 = arith.muli %add3A, %mul3A_105 : i32
    %add3A_107 = arith.constant 1 : i32
    %add3A_108 = arith.addi %mul3A_106, %add3A_107 : i32
    %jit3A_109 = arith.constant 32 : i32
    %div3A_110 = arith.divsi %add3A_108, %jit3A_109 : i32
    %sign3A_111 = arith.constant 0 : i32
    %sign3A_112 = arith.cmpi sgt, %add3A_108, %sign3A_111 : i32
    %sign3A_113 = arith.extui %sign3A_112 : i1 to i32
    %sign3A_114 = arith.constant 0 : i32
    %sign3A_115 = arith.cmpi slt, %add3A_108, %sign3A_114 : i32
    %sign3A_116 = arith.extui %sign3A_115 : i1 to i32
    %sign3A_117 = arith.subi %sign3A_113, %sign3A_116 : i32
    %sign3A_118 = arith.constant 0 : i32
    %sign3A_119 = arith.cmpi sgt, %jit3A_109, %sign3A_118 : i32
    %sign3A_120 = arith.extui %sign3A_119 : i1 to i32
    %sign3A_121 = arith.constant 0 : i32
    %sign3A_122 = arith.cmpi slt, %jit3A_109, %sign3A_121 : i32
    %sign3A_123 = arith.extui %sign3A_122 : i1 to i32
    %sign3A_124 = arith.subi %sign3A_120, %sign3A_123 : i32
    %ne3A_125 = arith.cmpi ne, %sign3A_117, %sign3A_124 : i32
    %rem3A_126 = arith.remsi %add3A_108, %jit3A_109 : i32
    %ne3A_127 = arith.constant 0 : i32
    %ne3A_128 = arith.cmpi ne, %rem3A_126, %ne3A_127 : i32
    %and3A_129 = arith.andi %ne3A_125, %ne3A_128 : i1
    %sub3A_130 = arith.constant 1 : i32
    %sub3A_131 = arith.subi %div3A_110, %sub3A_130 : i32
    %select_n3A_132 = arith.select %and3A_129, %sub3A_131, %div3A_110 : i32
    %jit3A_133 = arith.constant 32 : i32
    %eq3A_134 = arith.constant 0 : i32
    %eq3A_135 = arith.cmpi eq, %jit3A_133, %eq3A_134 : i32
    %jit3A_136 = arith.constant 1 : i32
    %select_n3A_137 = arith.select %eq3A_135, %jit3A_136, %jit3A_133 : i32
    %rem3A_138 = arith.remsi %add3A_108, %select_n3A_137 : i32
    %ne3A_139 = arith.constant 0 : i32
    %ne3A_140 = arith.cmpi ne, %rem3A_138, %ne3A_139 : i32
    %lt3A_141 = arith.constant 0 : i32
    %lt3A_142 = arith.cmpi slt, %rem3A_138, %lt3A_141 : i32
    %lt3A_143 = arith.constant 0 : i32
    %lt3A_144 = arith.cmpi slt, %select_n3A_137, %lt3A_143 : i32
    %ne3A_145 = arith.xori %lt3A_142, %lt3A_144 : i1
    %and3A_146 = arith.andi %ne3A_145, %ne3A_140 : i1
    %add3A_147 = arith.addi %rem3A_138, %select_n3A_137 : i32
    %select_n3A_148 = arith.select %and3A_146, %add3A_147, %rem3A_138 : i32
    %jit3A_149 = arith.constant 2 : i32
    %div3A_150 = arith.divsi %select_n3A_148, %jit3A_149 : i32
    %sign3A_151 = arith.constant 0 : i32
    %sign3A_152 = arith.cmpi sgt, %select_n3A_148, %sign3A_151 : i32
    %sign3A_153 = arith.extui %sign3A_152 : i1 to i32
    %sign3A_154 = arith.constant 0 : i32
    %sign3A_155 = arith.cmpi slt, %select_n3A_148, %sign3A_154 : i32
    %sign3A_156 = arith.extui %sign3A_155 : i1 to i32
    %sign3A_157 = arith.subi %sign3A_153, %sign3A_156 : i32
    %sign3A_158 = arith.constant 0 : i32
    %sign3A_159 = arith.cmpi sgt, %jit3A_149, %sign3A_158 : i32
    %sign3A_160 = arith.extui %sign3A_159 : i1 to i32
    %sign3A_161 = arith.constant 0 : i32
    %sign3A_162 = arith.cmpi slt, %jit3A_149, %sign3A_161 : i32
    %sign3A_163 = arith.extui %sign3A_162 : i1 to i32
    %sign3A_164 = arith.subi %sign3A_160, %sign3A_163 : i32
    %ne3A_165 = arith.cmpi ne, %sign3A_157, %sign3A_164 : i32
    %rem3A_166 = arith.remsi %select_n3A_148, %jit3A_149 : i32
    %ne3A_167 = arith.constant 0 : i32
    %ne3A_168 = arith.cmpi ne, %rem3A_166, %ne3A_167 : i32
    %and3A_169 = arith.andi %ne3A_165, %ne3A_168 : i1
    %sub3A_170 = arith.constant 1 : i32
    %sub3A_171 = arith.subi %div3A_150, %sub3A_170 : i32
    %select_n3A_172 = arith.select %and3A_169, %sub3A_171, %div3A_150 : i32
    %jit3A_173 = arith.constant 2 : i32
    %eq3A_174 = arith.constant 0 : i32
    %eq3A_175 = arith.cmpi eq, %jit3A_173, %eq3A_174 : i32
    %jit3A_176 = arith.constant 1 : i32
    %select_n3A_177 = arith.select %eq3A_175, %jit3A_176, %jit3A_173 : i32
    %rem3A_178 = arith.remsi %select_n3A_148, %select_n3A_177 : i32
    %ne3A_179 = arith.constant 0 : i32
    %ne3A_180 = arith.cmpi ne, %rem3A_178, %ne3A_179 : i32
    %lt3A_181 = arith.constant 0 : i32
    %lt3A_182 = arith.cmpi slt, %rem3A_178, %lt3A_181 : i32
    %lt3A_183 = arith.constant 0 : i32
    %lt3A_184 = arith.cmpi slt, %select_n3A_177, %lt3A_183 : i32
    %ne3A_185 = arith.xori %lt3A_182, %lt3A_184 : i1
    %and3A_186 = arith.andi %ne3A_185, %ne3A_180 : i1
    %add3A_187 = arith.addi %rem3A_178, %select_n3A_177 : i32
    %select_n3A_188 = arith.select %and3A_186, %add3A_187, %rem3A_178 : i32
    %mul3A_189 = arith.constant 63 : i32
    %mul3A_190 = arith.muli %mul3A_189, %select_n3A_172 : i32
    %jit3A_191 = arith.constant 15 : i32
    %div3A_192 = arith.divsi %mul3A_190, %jit3A_191 : i32
    %sign3A_193 = arith.constant 0 : i32
    %sign3A_194 = arith.cmpi sgt, %mul3A_190, %sign3A_193 : i32
    %sign3A_195 = arith.extui %sign3A_194 : i1 to i32
    %sign3A_196 = arith.constant 0 : i32
    %sign3A_197 = arith.cmpi slt, %mul3A_190, %sign3A_196 : i32
    %sign3A_198 = arith.extui %sign3A_197 : i1 to i32
    %sign3A_199 = arith.subi %sign3A_195, %sign3A_198 : i32
    %sign3A_200 = arith.constant 0 : i32
    %sign3A_201 = arith.cmpi sgt, %jit3A_191, %sign3A_200 : i32
    %sign3A_202 = arith.extui %sign3A_201 : i1 to i32
    %sign3A_203 = arith.constant 0 : i32
    %sign3A_204 = arith.cmpi slt, %jit3A_191, %sign3A_203 : i32
    %sign3A_205 = arith.extui %sign3A_204 : i1 to i32
    %sign3A_206 = arith.subi %sign3A_202, %sign3A_205 : i32
    %ne3A_207 = arith.cmpi ne, %sign3A_199, %sign3A_206 : i32
    %rem3A_208 = arith.remsi %mul3A_190, %jit3A_191 : i32
    %ne3A_209 = arith.constant 0 : i32
    %ne3A_210 = arith.cmpi ne, %rem3A_208, %ne3A_209 : i32
    %and3A_211 = arith.andi %ne3A_207, %ne3A_210 : i1
    %sub3A_212 = arith.constant 1 : i32
    %sub3A_213 = arith.subi %div3A_192, %sub3A_212 : i32
    %select_n3A_214 = arith.select %and3A_211, %sub3A_213, %div3A_192 : i32
    %mul3A_215 = arith.constant 112 : i32
    %mul3A_216 = arith.muli %select_n3A_188, %mul3A_215 : i32
    "tpu.region"() ({
      %run_scoped3A = tpu.sem_alloc : memref<!tpu.dma_semaphore, #tpu.memory_space<semaphore_mem>>
      %dma_start3A = arith.constant 0 : i32
      %dma_start3A_333 = tpu.memref_slice %arg2[%select_n3A_132, %select_n3A_214, %mul3A_216, %dma_start3A] : memref<3x64x224x224xf32, #tpu.memory_space<hbm>> -> memref<1x1x112x224xf32, #tpu.memory_space<hbm>>
      %dma_start3A_334 = tpu.memref_squeeze %dma_start3A_333 : memref<1x1x112x224xf32, #tpu.memory_space<hbm>> -> memref<112x224xf32, #tpu.memory_space<hbm>>
      %dma_start3A_335 = arith.constant 0 : i32
      %dma_start3A_336 = tpu.memref_slice %arg2[%select_n3A_132, %select_n3A_214, %mul3A_216, %dma_start3A_335] : memref<3x64x224x224xf32, #tpu.memory_space<hbm>> -> memref<1x1x112x224xf32, #tpu.memory_space<hbm>>
      %dma_start3A_337 = tpu.memref_squeeze %dma_start3A_336 : memref<1x1x112x224xf32, #tpu.memory_space<hbm>> -> memref<112x224xf32, #tpu.memory_space<hbm>>
      tpu.enqueue_dma source(%dma_start3A_337 : memref<112x224xf32, #tpu.memory_space<hbm>>) target(%arg4 : memref<112x224xf32, #tpu.memory_space<vmem>>) target_semaphore(%run_scoped3A : memref<!tpu.dma_semaphore, #tpu.memory_space<semaphore_mem>>)
      %dma_wait3A = arith.constant 0 : i32
      %dma_wait3A_338 = tpu.memref_slice %arg2[%select_n3A_132, %select_n3A_214, %mul3A_216, %dma_wait3A] : memref<3x64x224x224xf32, #tpu.memory_space<hbm>> -> memref<1x1x112x224xf32, #tpu.memory_space<hbm>>
      %dma_wait3A_339 = tpu.memref_squeeze %dma_wait3A_338 : memref<1x1x112x224xf32, #tpu.memory_space<hbm>> -> memref<112x224xf32, #tpu.memory_space<hbm>>
      %dma_wait3A_340 = arith.constant 0 : i32
      %dma_wait3A_341 = tpu.memref_slice %arg2[%select_n3A_132, %select_n3A_214, %mul3A_216, %dma_wait3A_340] : memref<3x64x224x224xf32, #tpu.memory_space<hbm>> -> memref<1x1x112x224xf32, #tpu.memory_space<hbm>>
      %dma_wait3A_342 = tpu.memref_squeeze %dma_wait3A_341 : memref<1x1x112x224xf32, #tpu.memory_space<hbm>> -> memref<112x224xf32, #tpu.memory_space<hbm>>
      tpu.wait_dma2 semaphore(%run_scoped3A : memref<!tpu.dma_semaphore, #tpu.memory_space<semaphore_mem>>) src(%dma_wait3A_342 : memref<112x224xf32, #tpu.memory_space<hbm>>) dst(%arg4 : memref<112x224xf32, #tpu.memory_space<vmem>>)
      tpu.yield
    }) : () -> ()
    %mul3A_217 = arith.constant 112 : i32
    %mul3A_218 = arith.muli %select_n3A_188, %mul3A_217 : i32
    "tpu.region"() ({
      %run_scoped3A = tpu.sem_alloc : memref<!tpu.dma_semaphore, #tpu.memory_space<semaphore_mem>>
      %dma_start3A = arith.constant 0 : i32
      %dma_start3A_333 = tpu.memref_slice %arg3[%select_n3A_132, %select_n3A_172, %mul3A_218, %dma_start3A] : memref<3x16x224x224xf32, #tpu.memory_space<hbm>> -> memref<1x1x112x224xf32, #tpu.memory_space<hbm>>
      %dma_start3A_334 = tpu.memref_squeeze %dma_start3A_333 : memref<1x1x112x224xf32, #tpu.memory_space<hbm>> -> memref<112x224xf32, #tpu.memory_space<hbm>>
      %dma_start3A_335 = arith.constant 0 : i32
      %dma_start3A_336 = tpu.memref_slice %arg3[%select_n3A_132, %select_n3A_172, %mul3A_218, %dma_start3A_335] : memref<3x16x224x224xf32, #tpu.memory_space<hbm>> -> memref<1x1x112x224xf32, #tpu.memory_space<hbm>>
      %dma_start3A_337 = tpu.memref_squeeze %dma_start3A_336 : memref<1x1x112x224xf32, #tpu.memory_space<hbm>> -> memref<112x224xf32, #tpu.memory_space<hbm>>
      tpu.enqueue_dma source(%arg4 : memref<112x224xf32, #tpu.memory_space<vmem>>) target(%dma_start3A_337 : memref<112x224xf32, #tpu.memory_space<hbm>>) target_semaphore(%run_scoped3A : memref<!tpu.dma_semaphore, #tpu.memory_space<semaphore_mem>>)
      %dma_wait3A = arith.constant 0 : i32
      %dma_wait3A_338 = tpu.memref_slice %arg3[%select_n3A_132, %select_n3A_172, %mul3A_218, %dma_wait3A] : memref<3x16x224x224xf32, #tpu.memory_space<hbm>> -> memref<1x1x112x224xf32, #tpu.memory_space<hbm>>
      %dma_wait3A_339 = tpu.memref_squeeze %dma_wait3A_338 : memref<1x1x112x224xf32, #tpu.memory_space<hbm>> -> memref<112x224xf32, #tpu.memory_space<hbm>>
      %dma_wait3A_340 = arith.constant 0 : i32
      %dma_wait3A_341 = tpu.memref_slice %arg3[%select_n3A_132, %select_n3A_172, %mul3A_218, %dma_wait3A_340] : memref<3x16x224x224xf32, #tpu.memory_space<hbm>> -> memref<1x1x112x224xf32, #tpu.memory_space<hbm>>
      %dma_wait3A_342 = tpu.memref_squeeze %dma_wait3A_341 : memref<1x1x112x224xf32, #tpu.memory_space<hbm>> -> memref<112x224xf32, #tpu.memory_space<hbm>>
      tpu.wait_dma2 semaphore(%run_scoped3A : memref<!tpu.dma_semaphore, #tpu.memory_space<semaphore_mem>>) src(%arg4 : memref<112x224xf32, #tpu.memory_space<vmem>>) dst(%dma_wait3A_342 : memref<112x224xf32, #tpu.memory_space<hbm>>)
      tpu.yield
    }) : () -> ()
    %mul3A_219 = arith.constant 3 : i32
    %mul3A_220 = arith.muli %add3A, %mul3A_219 : i32
    %add3A_221 = arith.constant 2 : i32
    %add3A_222 = arith.addi %mul3A_220, %add3A_221 : i32
    %jit3A_223 = arith.constant 32 : i32
    %div3A_224 = arith.divsi %add3A_222, %jit3A_223 : i32
    %sign3A_225 = arith.constant 0 : i32
    %sign3A_226 = arith.cmpi sgt, %add3A_222, %sign3A_225 : i32
    %sign3A_227 = arith.extui %sign3A_226 : i1 to i32
    %sign3A_228 = arith.constant 0 : i32
    %sign3A_229 = arith.cmpi slt, %add3A_222, %sign3A_228 : i32
    %sign3A_230 = arith.extui %sign3A_229 : i1 to i32
    %sign3A_231 = arith.subi %sign3A_227, %sign3A_230 : i32
    %sign3A_232 = arith.constant 0 : i32
    %sign3A_233 = arith.cmpi sgt, %jit3A_223, %sign3A_232 : i32
    %sign3A_234 = arith.extui %sign3A_233 : i1 to i32
    %sign3A_235 = arith.constant 0 : i32
    %sign3A_236 = arith.cmpi slt, %jit3A_223, %sign3A_235 : i32
    %sign3A_237 = arith.extui %sign3A_236 : i1 to i32
    %sign3A_238 = arith.subi %sign3A_234, %sign3A_237 : i32
    %ne3A_239 = arith.cmpi ne, %sign3A_231, %sign3A_238 : i32
    %rem3A_240 = arith.remsi %add3A_222, %jit3A_223 : i32
    %ne3A_241 = arith.constant 0 : i32
    %ne3A_242 = arith.cmpi ne, %rem3A_240, %ne3A_241 : i32
    %and3A_243 = arith.andi %ne3A_239, %ne3A_242 : i1
    %sub3A_244 = arith.constant 1 : i32
    %sub3A_245 = arith.subi %div3A_224, %sub3A_244 : i32
    %select_n3A_246 = arith.select %and3A_243, %sub3A_245, %div3A_224 : i32
    %jit3A_247 = arith.constant 32 : i32
    %eq3A_248 = arith.constant 0 : i32
    %eq3A_249 = arith.cmpi eq, %jit3A_247, %eq3A_248 : i32
    %jit3A_250 = arith.constant 1 : i32
    %select_n3A_251 = arith.select %eq3A_249, %jit3A_250, %jit3A_247 : i32
    %rem3A_252 = arith.remsi %add3A_222, %select_n3A_251 : i32
    %ne3A_253 = arith.constant 0 : i32
    %ne3A_254 = arith.cmpi ne, %rem3A_252, %ne3A_253 : i32
    %lt3A_255 = arith.constant 0 : i32
    %lt3A_256 = arith.cmpi slt, %rem3A_252, %lt3A_255 : i32
    %lt3A_257 = arith.constant 0 : i32
    %lt3A_258 = arith.cmpi slt, %select_n3A_251, %lt3A_257 : i32
    %ne3A_259 = arith.xori %lt3A_256, %lt3A_258 : i1
    %and3A_260 = arith.andi %ne3A_259, %ne3A_254 : i1
    %add3A_261 = arith.addi %rem3A_252, %select_n3A_251 : i32
    %select_n3A_262 = arith.select %and3A_260, %add3A_261, %rem3A_252 : i32
    %jit3A_263 = arith.constant 2 : i32
    %div3A_264 = arith.divsi %select_n3A_262, %jit3A_263 : i32
    %sign3A_265 = arith.constant 0 : i32
    %sign3A_266 = arith.cmpi sgt, %select_n3A_262, %sign3A_265 : i32
    %sign3A_267 = arith.extui %sign3A_266 : i1 to i32
    %sign3A_268 = arith.constant 0 : i32
    %sign3A_269 = arith.cmpi slt, %select_n3A_262, %sign3A_268 : i32
    %sign3A_270 = arith.extui %sign3A_269 : i1 to i32
    %sign3A_271 = arith.subi %sign3A_267, %sign3A_270 : i32
    %sign3A_272 = arith.constant 0 : i32
    %sign3A_273 = arith.cmpi sgt, %jit3A_263, %sign3A_272 : i32
    %sign3A_274 = arith.extui %sign3A_273 : i1 to i32
    %sign3A_275 = arith.constant 0 : i32
    %sign3A_276 = arith.cmpi slt, %jit3A_263, %sign3A_275 : i32
    %sign3A_277 = arith.extui %sign3A_276 : i1 to i32
    %sign3A_278 = arith.subi %sign3A_274, %sign3A_277 : i32
    %ne3A_279 = arith.cmpi ne, %sign3A_271, %sign3A_278 : i32
    %rem3A_280 = arith.remsi %select_n3A_262, %jit3A_263 : i32
    %ne3A_281 = arith.constant 0 : i32
    %ne3A_282 = arith.cmpi ne, %rem3A_280, %ne3A_281 : i32
    %and3A_283 = arith.andi %ne3A_279, %ne3A_282 : i1
    %sub3A_284 = arith.constant 1 : i32
    %sub3A_285 = arith.subi %div3A_264, %sub3A_284 : i32
    %select_n3A_286 = arith.select %and3A_283, %sub3A_285, %div3A_264 : i32
    %jit3A_287 = arith.constant 2 : i32
    %eq3A_288 = arith.constant 0 : i32
    %eq3A_289 = arith.cmpi eq, %jit3A_287, %eq3A_288 : i32
    %jit3A_290 = arith.constant 1 : i32
    %select_n3A_291 = arith.select %eq3A_289, %jit3A_290, %jit3A_287 : i32
    %rem3A_292 = arith.remsi %select_n3A_262, %select_n3A_291 : i32
    %ne3A_293 = arith.constant 0 : i32
    %ne3A_294 = arith.cmpi ne, %rem3A_292, %ne3A_293 : i32
    %lt3A_295 = arith.constant 0 : i32
    %lt3A_296 = arith.cmpi slt, %rem3A_292, %lt3A_295 : i32
    %lt3A_297 = arith.constant 0 : i32
    %lt3A_298 = arith.cmpi slt, %select_n3A_291, %lt3A_297 : i32
    %ne3A_299 = arith.xori %lt3A_296, %lt3A_298 : i1
    %and3A_300 = arith.andi %ne3A_299, %ne3A_294 : i1
    %add3A_301 = arith.addi %rem3A_292, %select_n3A_291 : i32
    %select_n3A_302 = arith.select %and3A_300, %add3A_301, %rem3A_292 : i32
    %mul3A_303 = arith.constant 63 : i32
    %mul3A_304 = arith.muli %mul3A_303, %select_n3A_286 : i32
    %jit3A_305 = arith.constant 15 : i32
    %div3A_306 = arith.divsi %mul3A_304, %jit3A_305 : i32
    %sign3A_307 = arith.constant 0 : i32
    %sign3A_308 = arith.cmpi sgt, %mul3A_304, %sign3A_307 : i32
    %sign3A_309 = arith.extui %sign3A_308 : i1 to i32
    %sign3A_310 = arith.constant 0 : i32
    %sign3A_311 = arith.cmpi slt, %mul3A_304, %sign3A_310 : i32
    %sign3A_312 = arith.extui %sign3A_311 : i1 to i32
    %sign3A_313 = arith.subi %sign3A_309, %sign3A_312 : i32
    %sign3A_314 = arith.constant 0 : i32
    %sign3A_315 = arith.cmpi sgt, %jit3A_305, %sign3A_314 : i32
    %sign3A_316 = arith.extui %sign3A_315 : i1 to i32
    %sign3A_317 = arith.constant 0 : i32
    %sign3A_318 = arith.cmpi slt, %jit3A_305, %sign3A_317 : i32
    %sign3A_319 = arith.extui %sign3A_318 : i1 to i32
    %sign3A_320 = arith.subi %sign3A_316, %sign3A_319 : i32
    %ne3A_321 = arith.cmpi ne, %sign3A_313, %sign3A_320 : i32
    %rem3A_322 = arith.remsi %mul3A_304, %jit3A_305 : i32
    %ne3A_323 = arith.constant 0 : i32
    %ne3A_324 = arith.cmpi ne, %rem3A_322, %ne3A_323 : i32
    %and3A_325 = arith.andi %ne3A_321, %ne3A_324 : i1
    %sub3A_326 = arith.constant 1 : i32
    %sub3A_327 = arith.subi %div3A_306, %sub3A_326 : i32
    %select_n3A_328 = arith.select %and3A_325, %sub3A_327, %div3A_306 : i32
    %mul3A_329 = arith.constant 112 : i32
    %mul3A_330 = arith.muli %select_n3A_302, %mul3A_329 : i32
    "tpu.region"() ({
      %run_scoped3A = tpu.sem_alloc : memref<!tpu.dma_semaphore, #tpu.memory_space<semaphore_mem>>
      %dma_start3A = arith.constant 0 : i32
      %dma_start3A_333 = tpu.memref_slice %arg2[%select_n3A_246, %select_n3A_328, %mul3A_330, %dma_start3A] : memref<3x64x224x224xf32, #tpu.memory_space<hbm>> -> memref<1x1x112x224xf32, #tpu.memory_space<hbm>>
      %dma_start3A_334 = tpu.memref_squeeze %dma_start3A_333 : memref<1x1x112x224xf32, #tpu.memory_space<hbm>> -> memref<112x224xf32, #tpu.memory_space<hbm>>
      %dma_start3A_335 = arith.constant 0 : i32
      %dma_start3A_336 = tpu.memref_slice %arg2[%select_n3A_246, %select_n3A_328, %mul3A_330, %dma_start3A_335] : memref<3x64x224x224xf32, #tpu.memory_space<hbm>> -> memref<1x1x112x224xf32, #tpu.memory_space<hbm>>
      %dma_start3A_337 = tpu.memref_squeeze %dma_start3A_336 : memref<1x1x112x224xf32, #tpu.memory_space<hbm>> -> memref<112x224xf32, #tpu.memory_space<hbm>>
      tpu.enqueue_dma source(%dma_start3A_337 : memref<112x224xf32, #tpu.memory_space<hbm>>) target(%arg4 : memref<112x224xf32, #tpu.memory_space<vmem>>) target_semaphore(%run_scoped3A : memref<!tpu.dma_semaphore, #tpu.memory_space<semaphore_mem>>)
      %dma_wait3A = arith.constant 0 : i32
      %dma_wait3A_338 = tpu.memref_slice %arg2[%select_n3A_246, %select_n3A_328, %mul3A_330, %dma_wait3A] : memref<3x64x224x224xf32, #tpu.memory_space<hbm>> -> memref<1x1x112x224xf32, #tpu.memory_space<hbm>>
      %dma_wait3A_339 = tpu.memref_squeeze %dma_wait3A_338 : memref<1x1x112x224xf32, #tpu.memory_space<hbm>> -> memref<112x224xf32, #tpu.memory_space<hbm>>
      %dma_wait3A_340 = arith.constant 0 : i32
      %dma_wait3A_341 = tpu.memref_slice %arg2[%select_n3A_246, %select_n3A_328, %mul3A_330, %dma_wait3A_340] : memref<3x64x224x224xf32, #tpu.memory_space<hbm>> -> memref<1x1x112x224xf32, #tpu.memory_space<hbm>>
      %dma_wait3A_342 = tpu.memref_squeeze %dma_wait3A_341 : memref<1x1x112x224xf32, #tpu.memory_space<hbm>> -> memref<112x224xf32, #tpu.memory_space<hbm>>
      tpu.wait_dma2 semaphore(%run_scoped3A : memref<!tpu.dma_semaphore, #tpu.memory_space<semaphore_mem>>) src(%dma_wait3A_342 : memref<112x224xf32, #tpu.memory_space<hbm>>) dst(%arg4 : memref<112x224xf32, #tpu.memory_space<vmem>>)
      tpu.yield
    }) : () -> ()
    %mul3A_331 = arith.constant 112 : i32
    %mul3A_332 = arith.muli %select_n3A_302, %mul3A_331 : i32
    "tpu.region"() ({
      %run_scoped3A = tpu.sem_alloc : memref<!tpu.dma_semaphore, #tpu.memory_space<semaphore_mem>>
      %dma_start3A = arith.constant 0 : i32
      %dma_start3A_333 = tpu.memref_slice %arg3[%select_n3A_246, %select_n3A_286, %mul3A_332, %dma_start3A] : memref<3x16x224x224xf32, #tpu.memory_space<hbm>> -> memref<1x1x112x224xf32, #tpu.memory_space<hbm>>
      %dma_start3A_334 = tpu.memref_squeeze %dma_start3A_333 : memref<1x1x112x224xf32, #tpu.memory_space<hbm>> -> memref<112x224xf32, #tpu.memory_space<hbm>>
      %dma_start3A_335 = arith.constant 0 : i32
      %dma_start3A_336 = tpu.memref_slice %arg3[%select_n3A_246, %select_n3A_286, %mul3A_332, %dma_start3A_335] : memref<3x16x224x224xf32, #tpu.memory_space<hbm>> -> memref<1x1x112x224xf32, #tpu.memory_space<hbm>>
      %dma_start3A_337 = tpu.memref_squeeze %dma_start3A_336 : memref<1x1x112x224xf32, #tpu.memory_space<hbm>> -> memref<112x224xf32, #tpu.memory_space<hbm>>
      tpu.enqueue_dma source(%arg4 : memref<112x224xf32, #tpu.memory_space<vmem>>) target(%dma_start3A_337 : memref<112x224xf32, #tpu.memory_space<hbm>>) target_semaphore(%run_scoped3A : memref<!tpu.dma_semaphore, #tpu.memory_space<semaphore_mem>>)
      %dma_wait3A = arith.constant 0 : i32
      %dma_wait3A_338 = tpu.memref_slice %arg3[%select_n3A_246, %select_n3A_286, %mul3A_332, %dma_wait3A] : memref<3x16x224x224xf32, #tpu.memory_space<hbm>> -> memref<1x1x112x224xf32, #tpu.memory_space<hbm>>
      %dma_wait3A_339 = tpu.memref_squeeze %dma_wait3A_338 : memref<1x1x112x224xf32, #tpu.memory_space<hbm>> -> memref<112x224xf32, #tpu.memory_space<hbm>>
      %dma_wait3A_340 = arith.constant 0 : i32
      %dma_wait3A_341 = tpu.memref_slice %arg3[%select_n3A_246, %select_n3A_286, %mul3A_332, %dma_wait3A_340] : memref<3x16x224x224xf32, #tpu.memory_space<hbm>> -> memref<1x1x112x224xf32, #tpu.memory_space<hbm>>
      %dma_wait3A_342 = tpu.memref_squeeze %dma_wait3A_341 : memref<1x1x112x224xf32, #tpu.memory_space<hbm>> -> memref<112x224xf32, #tpu.memory_space<hbm>>
      tpu.wait_dma2 semaphore(%run_scoped3A : memref<!tpu.dma_semaphore, #tpu.memory_space<semaphore_mem>>) src(%arg4 : memref<112x224xf32, #tpu.memory_space<vmem>>) dst(%dma_wait3A_342 : memref<112x224xf32, #tpu.memory_space<hbm>>)
      tpu.yield
    }) : () -> ()
    return
  }
}

module attributes {stable_mosaic.version = 14 : i64} {
  func.func @_tc_body(%arg0: i32, %arg1: memref<1x64x224x224xf32, #tpu.memory_space<vmem>>, %arg2: memref<3x64x224x224xf32, #tpu.memory_space<any>>, %arg3: memref<!tpu.dma_semaphore, #tpu.memory_space<semaphore_mem>>) attributes {dimension_semantics = [#tpu.dimension_semantics<arbitrary>], iteration_bounds = array<i64: 3>, scalar_prefetch = 0 : i64, scratch_operands = 1 : i64, tpu.core_type = #tpu.core_type<tc>, window_params = [{transform_indices = @transform_0, window_bounds = array<i64: 1, 64, 224, 224>}, {}]} {
    %dma_start3A = arith.constant 0 : i32
    %dma_start3A_0 = arith.constant 0 : i32
    %dma_start3A_1 = arith.constant 0 : i32
    %dma_start3A_2 = arith.constant 0 : i32
    %dma_start3A_3 = tpu.memref_slice %arg2[%arg0, %dma_start3A_0, %dma_start3A_1, %dma_start3A_2] : memref<3x64x224x224xf32, #tpu.memory_space<any>> -> memref<1x64x224x224xf32, #tpu.memory_space<any>>
    %dma_start3A_4 = tpu.memref_squeeze %dma_start3A_3 : memref<1x64x224x224xf32, #tpu.memory_space<any>> -> memref<64x224x224xf32, #tpu.memory_space<any>>
    %dma_start3A_5 = arith.constant 0 : i32
    %dma_start3A_6 = arith.constant 0 : i32
    %dma_start3A_7 = arith.constant 0 : i32
    %dma_start3A_8 = tpu.memref_slice %arg1[%dma_start3A, %dma_start3A_5, %dma_start3A_6, %dma_start3A_7] : memref<1x64x224x224xf32, #tpu.memory_space<vmem>> -> memref<1x64x224x224xf32, #tpu.memory_space<vmem>>
    %dma_start3A_9 = tpu.memref_squeeze %dma_start3A_8 : memref<1x64x224x224xf32, #tpu.memory_space<vmem>> -> memref<64x224x224xf32, #tpu.memory_space<vmem>>
    tpu.enqueue_dma source(%dma_start3A_9 : memref<64x224x224xf32, #tpu.memory_space<vmem>>) target(%dma_start3A_4 : memref<64x224x224xf32, #tpu.memory_space<any>>) target_semaphore(%arg3 : memref<!tpu.dma_semaphore, #tpu.memory_space<semaphore_mem>>)
    %dma_wait3A = arith.constant 0 : i32
    %dma_wait3A_10 = arith.constant 0 : i32
    %dma_wait3A_11 = arith.constant 0 : i32
    %dma_wait3A_12 = arith.constant 0 : i32
    %dma_wait3A_13 = tpu.memref_slice %arg2[%arg0, %dma_wait3A_10, %dma_wait3A_11, %dma_wait3A_12] : memref<3x64x224x224xf32, #tpu.memory_space<any>> -> memref<1x64x224x224xf32, #tpu.memory_space<any>>
    %dma_wait3A_14 = tpu.memref_squeeze %dma_wait3A_13 : memref<1x64x224x224xf32, #tpu.memory_space<any>> -> memref<64x224x224xf32, #tpu.memory_space<any>>
    %dma_wait3A_15 = arith.constant 0 : i32
    %dma_wait3A_16 = arith.constant 0 : i32
    %dma_wait3A_17 = arith.constant 0 : i32
    %dma_wait3A_18 = tpu.memref_slice %arg1[%dma_wait3A, %dma_wait3A_15, %dma_wait3A_16, %dma_wait3A_17] : memref<1x64x224x224xf32, #tpu.memory_space<vmem>> -> memref<1x64x224x224xf32, #tpu.memory_space<vmem>>
    %dma_wait3A_19 = tpu.memref_squeeze %dma_wait3A_18 : memref<1x64x224x224xf32, #tpu.memory_space<vmem>> -> memref<64x224x224xf32, #tpu.memory_space<vmem>>
    tpu.wait_dma2 semaphore(%arg3 : memref<!tpu.dma_semaphore, #tpu.memory_space<semaphore_mem>>) src(%dma_wait3A_19 : memref<64x224x224xf32, #tpu.memory_space<vmem>>) dst(%dma_wait3A_14 : memref<64x224x224xf32, #tpu.memory_space<any>>)
    return
  }
  func.func @transform_0(%arg0: i32) -> (i32, i32, i32, i32) {
    %c0_i32 = arith.constant 0 : i32
    %c0_i32_0 = arith.constant 0 : i32
    %c0_i32_1 = arith.constant 0 : i32
    %c0_i32_2 = arith.constant 0 : i32
    return %arg0, %c0_i32, %c0_i32_0, %c0_i32_1 : i32, i32, i32, i32
  }
}

</mosaic_0001>

<sc_bundles>
// kernel: kernel.4.cloned.1.call-start
scs
__scs_entry_jumppad:
0x0: {  	(pc) =	sbr.rel $0x88, $3  }
0x1: {  	(tag) =	ssettag $0x0;
	lr =	simm.s32 $0x1  }
0x2: {  	[smem:$0x3FA0] =	sst lr;
	_ =	strace $0xD0000000  }
0x3: {  	_ = 	snop  }
0x4: {  	_ = 	snop  }
0x5: {  	_ = 	snop  }
0x6: {  	_ = 	snop  }
0x7: {  	_ = 	snop  }
__scs_overlays_trampoline_lowered:
0x8: {  	[smem:$0x3FAF] =	sst s0  }
0x9: {  	[smem:$0x3FB0] =	sst s1  }
0xa: {  	[smem:$0x3FB1] =	sst s2  }
0xb: {  	[smem:$0x3FB2] =	sst s3  }
0xc: {  	[smem:$0x3FB3] =	sst s4  }
0xd: {  	[smem:$0x3FB4] =	sst s5  }
0xe: {  	[smem:$0x3FB5] =	sst s6  }
0xf: {  	[smem:$0x3FB6] =	sst s7  }
0x10: {  	[smem:$0x3FB7] =	sst s8  }
0x11: {  	[smem:$0x3FB8] =	sst s9;
	s0 =	simm.s32 @!p0 $0x0  }
0x12: {  	s1 =	sld [smem:$0x3F9E];
	s0 =	simm.s32 @p0 $0x1  }
0x13: {  	[smem:$0x3FB9] =	sst s0;
	s0 =	simm.s32 @!p1 $0x0  }
0x14: {  	s2 =	sld [smem:$0x3F9D];
	s0 =	simm.s32 @p1 $0x1  }
0x15: {  	[smem:$0x3FBA] =	sst s0;
	s0 =	simm.s32 @!p2 $0x0  }
0x16: {  	s3 =	sld [smem:$0x3FDB];
	s0 =	simm.s32 @p2 $0x1  }
0x17: {  	s4 =	simm.s32 $0x1BF5;
	[smem:$0x3FBC] =	sst s0  }
0x18: {  	s0 =	sld [smem:$0x3F9F];
	_ =	swait.ge [sflag:s4], $0x0  }
0x19: {  	s7 =	sld [smem:$0x3FA0]  }
0x1a: {  	s8 =	sadd.s32 $0xFFFFE003, lr  }
0x1b: {  	s9 =	sadd.s32 $0xFFFFFEF7, lr;
	s5 =	simm.s32 $0xFFFFFFFF;
	p2 =	slt.u32 s8, $0xFFFFF086  }
0x1c: {  	p1 =	slt.u32 s9, $0xF7A;
	s5 =	simm.s32 @!p2 $0x0  }
0x1d: {  	s5 =	simm.s32 @p1 $0x1;
	p0 =	seq.s32 s7, s2  }
0x1e: {  	s7 =	smul.u32 @!p0 $0xF7A, s2;
	p2 =	seq.s32 @!p0 s5, $0x0  }
0x1f: {  	s9 =	smul.u32 $0xF7A, s1;
	s8 =	simm.s32 @!p0 $0x1BF5;
	p2 =	por !p2, p0  }
0x20: {  	[sflag:s8] =	ssyncset.s32 @!p0 $0xFFFFF086;
	s6 =	sadd.s32 @!p0 s3, s7;
	s7 =	simm.s32 @!p0 $0x108  }
0x21: {  	s3 =	sadd.s32 s3, s9;
	s6 =	sadd.s32 @!p0 $0x88, s6;
	s7 =	simm.s32 @p2 $0x1082  }
0x22: {  	[simem:s7], [sflag:s8] =	dma.local @!p0 [hbm:s6], $0xF7A  }
0x23: {  	s9 =	sor.u32 $0xD0000000, s2;
	s6 =	simm.s32 $0x108;
	_ =	swait.ge @!p0 [sflag:s8], $0x0  }
0x24: {  	s3 =	sadd.s32 $0x88, s3;
	s6 =	simm.s32 @!p1 $0x1082;
	[sflag:s4] =	ssyncset.s32 $0xFFFFF086  }
0x25: {  	[simem:s6], [sflag:s4] =	dma.local [hbm:s3], $0xF7A  }
0x26: {  	[smem:$0x3FA0] =	sst s1;
	(tag) =	ssettag s2;
	_ =	strace s9  }
0x27: {  	s1 =	sld [smem:$0x3FB0]  }
0x28: {  	s2 =	sld [smem:$0x3FB1]  }
0x29: {  	s4 =	sld [smem:$0x3FB3]  }
0x2a: {  	p0 =	seq.s32 s5, $0x0;
	s5 =	sld [smem:$0x3FB4]  }
0x2b: {  	s6 =	sld [smem:$0x3FB5]  }
0x2c: {  	s7 =	sld [smem:$0x3FB6]  }
0x2d: {  	s3 =	simm.s32 $0x108;
	s8 =	sld [smem:$0x3FB7]  }
0x2e: {  	s3 =	simm.s32 @!p0 $0x1082;
	s9 =	sld [smem:$0x3FB8]  }
0x2f: {  	lr =	sadd.s32 s0, s3;
	s0 =	sld [smem:$0x3FAF]  }
0x30: {  	s3 =	sld [smem:$0x3FB2]  }
0x31: {  	[smem:$0x3FBB] =	sst s10  }
0x32: {  	s10 =	sld [smem:$0x3FB9];
	_ =	sdelay $0x3  }
0x33: {  	p0 =	seq.s32 s10, $0x1;
	s10 =	sld [smem:$0x3FBB];
	_ =	sdelay $0x3  }
0x34: {  	[smem:$0x3FBB] =	sst s10  }
0x35: {  	s10 =	sld [smem:$0x3FBA];
	_ =	sdelay $0x3  }
0x36: {  	p1 =	seq.s32 s10, $0x1;
	s10 =	sld [smem:$0x3FBB];
	_ =	sdelay $0x3  }
0x37: {  	[smem:$0x3FBB] =	sst s10  }
0x38: {  	s10 =	sld [smem:$0x3FBC]  }
0x39: {  	_ = 	snop;
	(pc) =	sbr.ind lr, $3  }
0x3a: {  	_ = 	snop  }
0x3b: {  	_ = 	snop  }
0x3c: {  	p2 =	seq.s32 s10, $0x1;
	s10 =	sld [smem:$0x3FBB]  }
0x3d: {  	_ =	shalt  }
0x3e: {  	_ =	shalt  }
0x3f: {  	_ =	shalt  }
0x40: {  	_ =	shalt  }
0x41: {  	_ =	shalt  }
0x42: {  	_ =	shalt  }
0x43: {  	_ =	shalt  }
0x44: {  	_ =	shalt  }
0x45: {  	_ =	shalt  }
0x46: {  	_ =	shalt  }
0x47: {  	_ =	shalt  }
0x48: {  	_ =	shalt  }
0x49: {  	_ =	shalt  }
0x4a: {  	_ =	shalt  }
0x4b: {  	_ =	shalt  }
0x4c: {  	_ =	shalt  }
0x4d: {  	_ =	shalt  }
0x4e: {  	_ =	shalt  }
0x4f: {  	_ =	shalt  }
0x50: {  	_ =	shalt  }
0x51: {  	_ =	shalt  }
0x52: {  	_ =	shalt  }
0x53: {  	_ =	shalt  }
0x54: {  	_ =	shalt  }
0x55: {  	_ =	shalt  }
0x56: {  	_ =	shalt  }
0x57: {  	_ =	shalt  }
0x58: {  	_ =	shalt  }
0x59: {  	_ =	shalt  }
0x5a: {  	_ =	shalt  }
0x5b: {  	_ =	shalt  }
0x5c: {  	_ =	shalt  }
0x5d: {  	_ =	shalt  }
0x5e: {  	_ =	shalt  }
0x5f: {  	_ =	shalt  }
0x60: {  	_ =	shalt  }
0x61: {  	_ =	shalt  }
0x62: {  	_ =	shalt  }
0x63: {  	_ =	shalt  }
0x64: {  	_ =	shalt  }
0x65: {  	_ =	shalt  }
0x66: {  	_ =	shalt  }
0x67: {  	_ =	shalt  }
0x68: {  	_ =	shalt  }
0x69: {  	_ =	shalt  }
0x6a: {  	_ =	shalt  }
0x6b: {  	_ =	shalt  }
0x6c: {  	_ =	shalt  }
0x6d: {  	_ =	shalt  }
0x6e: {  	_ =	shalt  }
0x6f: {  	_ =	shalt  }
0x70: {  	_ =	shalt  }
0x71: {  	_ =	shalt  }
0x72: {  	_ =	shalt  }
0x73: {  	_ =	shalt  }
0x74: {  	_ =	shalt  }
0x75: {  	_ =	shalt  }
0x76: {  	_ =	shalt  }
0x77: {  	_ =	shalt  }
0x78: {  	_ =	shalt  }
0x79: {  	_ =	shalt  }
0x7a: {  	_ =	shalt  }
0x7b: {  	_ =	shalt  }
0x7c: {  	_ =	shalt  }
0x7d: {  	_ =	shalt  }
0x7e: {  	_ =	shalt  }
0x7f: {  	_ =	shalt  }
0x80: {  	_ =	shalt  }
0x81: {  	_ =	shalt  }
0x82: {  	_ =	shalt  }
0x83: {  	_ =	shalt  }
0x84: {  	_ =	shalt  }
0x85: {  	_ =	shalt  }
0x86: {  	_ =	shalt  }
0x87: {  	_ =	shalt  }
.Lfunc_end0:
.L_simem_size_0:
called_computation_lowered:
.L_overlay_start_0:
0x88: {  	s2 =	sld [smem:$0x3FD9]  }
0x89: {  	s3 =	sld [smem:$0x3FFE];
	_ =	sdelay $0x1  }
0x8a: {  	s1 =	srdreg.scid  }
0x8b: {  	s0 =	sand.u32 $0x1, s1  }
0x8c: {  	s15 =	sshll.u32 s0, $0xA;
	s2 =	sadd.s32 s3, s2  }
0x8d: {  	s2 =	sadd.s32 s2, s15  }
0x8e: {  	[smem:$0x3FC7] =	sst s2  }
0x8f: {  	_ = 	snop  }
0x90: {  	s2 =	sld [smem:$0x3FD0];
	_ =	sdelay $0x2  }
0x91: {  	s4 =	simm.s32 $0xA;
	s5 =	simm.s32 $0x10;
	s16 =	sld [smem:$0x3FC9]  }
0x92: {  	[smem:s5], [sflag:s4] =	dma.local [hbm:s2], $0x1  }
0x93: {  	_ =	swait.eq [sflag:s4], $0x1  }
0x94: {  	[sflag:s4] =	ssyncset.done $0x0  }
0x95: {  	[sflag:s4] =	ssyncadd.s32 $0xFFFFFFFF  }
0x96: {  	s17 =	sld [smem:$0x10];
	(tm) =	ssettm $0x1  }
0x97: {  	s18 =	sld [smem:$0x3FFB];
	_ =	sdelay $0x3  }
0x98: {  	_ =	strace s18  }
0x99: {  	s4 =	sld [smem:$0x3FFC];
	_ =	sdelay $0x3  }
0x9a: {  	_ =	strace s4  }
0x9b: {  	s4 =	sld [smem:$0x3FFD];
	_ =	sdelay $0x3  }
0x9c: {  	_ =	strace s4  }
0x9d: {  	_ =	strace $0x8FFFFFFF  }
0x9e: {  	s19 =	sld [smem:$0x3FDB];
	_ =	sdelay $0x1  }
0x9f: {  	s20 =	simm.s32 $_scs_section_size  }
0xa0: {  	s6 =	simm.s32 $_size__tile_overlayer_lowered;
	s7 =	simm.s32 $_tile_overlayer_lowered  }
0xa1: {  	s23 =	simm.s32 $0x1BFF;
	s22 =	sshll.u32 s7, $0x1;
	s4 =	sadd.s32 s20, s19  }
0xa2: {  	s8 =	simm.s32 $0x0;
	s21 =	sshll.u32 s6, $0x1;
	s6 =	sadd.s32 s22, s4  }
0xa3: {  	[timem:s8], [sflag:s23] =	dma.local [hbm:s6], s21  }
0xa4: {  	_ =	swait.ge [sflag:s23], s21  }
0xa5: {  	s5 =	ssub.s32 $0x0, s21;
	[sflag:s23] =	ssyncset.done $0x0  }
0xa6: {  	[sflag:s23] =	ssyncadd.s32 s5;
	_ =	sdelay $0x1  }
0xa7: {  	s24 =	simm.s32 $0x1B8B  }
0xa8: {  	_ =	swait.ge [sflag:s24], $0x1  }
0xa9: {  	[sflag:s24] =	ssyncset.done $0x0  }
0xaa: {  	s25 =	simm.s32 $0x1B8E;
	[sflag:s24] =	ssyncadd.s32 $0xFFFFFFFF  }
0xab: {  	s26 =	simm.s32 $execute0_lowered;
	[smem:$0x3FD2] =	sst s25  }
0xac: {  	s5 =	sshll.u32 s26, $0x1;
	_ =	strace $0x80000046;
	[dreg:$0x1] =	wrdreg $0xFFFFFFFF  }
0xad: {  	s28 =	simm.s32 $_size_execute0_lowered;
	s4 =	sadd.s32 s4, s5;
	[dreg:$0x0] =	wrdreg $0x0  }
0xae: {  	s5 =	sshll.u32 s28, $0x1;
	[dreg:$0x2] =	wrdreg s4  }
0xaf: {  	[dreg:$0x3] =	wrdreg s5  }
0xb0: {  	[dreg:$0x4] =	wrdreg $0xC0  }
0xb1: {  	_ =	task [dreg:s8], $0x5FFFF  }
0xb2: {  	[dreg:$0x1] =	wrdreg $0xFFFFFFFF  }
0xb3: {  	[dreg:$0x0] =	wrdreg $0x60  }
0xb4: {  	[dreg:$0x2] =	wrdreg s16  }
0xb5: {  	[dreg:$0x3] =	wrdreg s17  }
0xb6: {  	[dreg:$0x4] =	wrdreg $0x9  }
0xb7: {  	_ =	task.clear_ibuf [dreg:s8], $0x5FFFF;
	_ =	strace $0x90000046  }
0xb8: {  	s29 =	simm.s32 $0x9;
	_ =	strace $0x80000048  }
0xb9: {  	_ =	swait.ge [sflag:s29], $0x1  }
0xba: {  	[sflag:s29] =	ssyncadd.s32 $0xFFFFFFFF  }
0xbb: {  	_ =	strace $0x90000048  }
0xbc: {  	_ =	sfence  }
0xbd: {  	s30 =	sld [smem:$0x0];
	_ =	sdelay $0x2  }
0xbe: {  	s31 =	sshll.u32 s1, $0xD;
	s1 =	sshrl.u32 s1, $0x2  }
0xbf: {  	s3 =	sand.u32 $0x4000, s31;
	s1 =	sadd.s32 s1, s30  }
0xc0: {  	s0 =	sor.u32 s3, s0;
	s1 =	sshll.u32 s1, $0x11  }
0xc1: {  	s0 =	sor.u32 s1, s0  }
0xc2: {  	s0 =	sadd.s32 $0x8F2B, s0  }
0xc3: {  	[sflag:s0] =	ssyncadd.remote.s32 $0x1  }
0xc4: {  	_ =	sfence.sel $0xFFFF  }
0xc5: {  	[dreg:$0x0] =	wrdreg $0xFFFFFFFF;
	(pc) =	sbr.abs _section_cstart, $3  }
0xc6: {  	[dreg:$0x1] =	wrdreg $0xFFFFFFFF  }
0xc7: {  	_ =	task.clear_ibuf [dreg:s8], $0x2FFFF;
	_ =	strace $0x9FFFFFFF  }
0xc8: {  	(tm) =	ssettm $0x7FFFFFFF  }
0xc9: {  	_ =	shalt  }
tec
execute0_lowered:
.L_overlay_start_1:
0x0: {  	(tag) =	ssettag $0x1  }
0x1: {  	s1 =	srdreg.scid  }
0x2: {  	s0 =	stileid.u32;
	s10 =	rddreg [dreg:$0x0]  }
0x3: {  	s7 =	rddreg [dreg:$0x1];
	s9 =	sand.u32 $0x1, s1;
	s16 =	sshll.u32 s0, $0x1  }
0x4: {  	s2 =	simm.s32 $0x0;
	s1 =	sor.u32 s9, s16;
	s26 =	ssub.s32 $0x2, s9  }
0x5: {  	[smem:$0x7FF] =	sst s2;
	s6 =	smul.u32 $0x3, s1;
	s29 =	sshrl.u32 s26, $0x1  }
0x6: {  	s1 =	rddreg [dreg:$0x2];
	_ =	strace $0x80000047;
	s30 =	ssub.s32 s26, s29  }
0x7: {  	s3 =	sshrl.u32 s6, $0x1;
	s4 =	sshrl.u32 s6, $0x5;
	s11 =	sand.u32 $0x1, s6  }
0x8: {  	s12 =	sadd.s32 $0x1, s6;
	s20 =	sadd.s32 $0x2, s6;
	s31 =	smax.u32 s30, $0x1  }
0x9: {  	s3 =	sand.u32 $0xF, s3;
	s8 =	smul.u32 $0x380000, s4;
	p0 =	seq.s32 s11, $0x1  }
0xa: {  	s11 =	simm.s32 $0x7000;
	s4 =	smul.u32 $0xE0000, s4;
	s13 =	sshrl.u32 s12, $0x1  }
0xb: {  	s15 =	sshrl.u32 s12, $0x5;
	s12 =	sand.u32 $0x1, s12;
	s5 =	smul.u32 $0x4336E, s3  }
0xc: {  	s6 =	sshrl.u32 s20, $0x1;
	s11 =	simm.s32 @!p0 $0x0;
	s3 =	smul.u32 $0xE000, s3  }
0xd: {  	s17 =	sand.u32 $0xF, s13;
	s16 =	smul.u32 $0x380000, s15;
	s5 =	sshrl.u32 s5, $0x10  }
0xe: {  	s13 =	simm.s32 $0x7000;
	p0 =	seq.s32 s12, $0x1;
	s5 =	smul.u32 $0xE000, s5  }
0xf: {  	s15 =	smul.u32 $0xE0000, s15;
	s21 =	sand.u32 $0xF, s6;
	s8 =	sor.u32 s8, s11  }
0x10: {  	s14 =	smul.u32 $0x4336E, s17;
	s4 =	sor.u32 s4, s11;
	s5 =	sadd.s32 s5, s8  }
0x11: {  	s13 =	simm.s32 @!p0 $0x0;
	s22 =	smul.u32 $0x4336E, s21;
	s5 =	sshrl.u32 s5, $0x3  }
0x12: {  	s4 =	sadd.s32 s3, s4;
	s3 =	sadd.s32 s10, s5;
	s5 =	simm.s32 $0x1  }
0x13: {  	[tilespmem:s2], [sflag:$0x1] =	stream.linear.gather [hbm4b:s3+s2], $0x7000, $0x38;
	[tilespmem:$0x7000] =	vst v63  }
0x14: {  	s19 =	sor.u32 s16, s13;
	s13 =	sor.u32 s15, s13;
	_ =	swait.ge [sflag:s5], $0x7000  }
0x15: {  	s14 =	sshrl.u32 s14, $0x10;
	s4 =	sshrl.u32 s4, $0x3;
	[sflag:s5] =	ssyncset.done $0x0  }
0x16: {  	s18 =	smul.u32 $0xE000, s14;
	s4 =	sadd.s32 s7, s4;
	[sflag:s5] =	ssyncadd.s32 $0xFFFF9000  }
0x17: {  	[hbm4b:s4+s2] =	stream.linear.scatter [tilespmem:s2], [sflag:$0x1], $0x7000, $0x38;
	[tilespmem:$0x7000] =	vst v63  }
0x18: {  	s14 =	sshrl.u32 s20, $0x5;
	s12 =	sadd.s32 s18, s19;
	_ =	swait.ge [sflag:s5], $0x7000  }
0x19: {  	s8 =	smul.u32 $0xE000, s17;
	s12 =	sshrl.u32 s12, $0x3;
	[sflag:s5] =	ssyncset.done $0x0  }
0x1a: {  	s23 =	smul.u32 $0x380000, s14;
	s6 =	sadd.s32 s10, s12;
	[sflag:s5] =	ssyncadd.s32 $0xFFFF9000  }
0x1b: {  	[tilespmem:s2], [sflag:$0x1] =	stream.linear.gather [hbm4b:s6+s2], $0x7000, $0x38;
	[tilespmem:$0x7000] =	vst v63  }
0x1c: {  	s8 =	sadd.s32 s8, s13;
	s24 =	sor.u32 s11, s23;
	_ =	swait.ge [sflag:s5], $0x7000  }
0x1d: {  	s12 =	sshrl.u32 s22, $0x10;
	s8 =	sshrl.u32 s8, $0x3;
	[sflag:s5] =	ssyncset.done $0x0  }
0x1e: {  	s12 =	smul.u32 $0xE000, s12;
	s8 =	sadd.s32 s7, s8;
	[sflag:s5] =	ssyncadd.s32 $0xFFFF9000  }
0x1f: {  	[hbm4b:s8+s2] =	stream.linear.scatter [tilespmem:s2], [sflag:$0x1], $0x7000, $0x38;
	[tilespmem:$0x7000] =	vst v63  }
0x20: {  	s25 =	smul.u32 $0xE0000, s14;
	s12 =	sadd.s32 s12, s24;
	_ =	swait.ge [sflag:s5], $0x7000  }
0x21: {  	s28 =	smul.u32 $0xE000, s21;
	s12 =	sshrl.u32 s12, $0x3;
	[sflag:s5] =	ssyncset.done $0x0  }
0x22: {  	s11 =	sor.u32 s11, s25;
	s9 =	sadd.s32 s10, s12;
	[sflag:s5] =	ssyncadd.s32 $0xFFFF9000  }
0x23: {  	[tilespmem:s2], [sflag:$0x1] =	stream.linear.gather [hbm4b:s9+s2], $0x7000, $0x38;
	[tilespmem:$0x7000] =	vst v63  }
0x24: {  	p0 =	sne.s32 s31, $0x1;
	s10 =	sadd.s32 s28, s11;
	_ =	swait.ge [sflag:s5], $0x7000  }
.Ltmp0:
0x25: {  	s10 =	sshrl.u32 s10, $0x3;
	[sflag:s5] =	ssyncset.done $0x0;
	(pc) =	sbr.rel @!p0 .LBB2_2-.Ltmp0, $4  }
0x26: {  	s7 =	sadd.s32 s7, s10;
	[sflag:s5] =	ssyncadd.s32 $0xFFFF9000  }
0x27: {  	[hbm4b:s7+s2] =	stream.linear.scatter [tilespmem:s2], [sflag:$0x1], $0x7000, $0x38;
	[tilespmem:$0x7000] =	vst v63  }
0x28: {  	_ =	swait.ge [sflag:s5], $0x7000  }
0x29: {  	s10 =	sadd.s32 $0xFFFFFFFF, s31;
	[sflag:s5] =	ssyncset.done $0x0  }
.LBB2_1:
0x2a: {  	p0 =	sne.s32 s10, $0x1;
	s10 =	sadd.s32 $0xFFFFFFFF, s10;
	[sflag:s5] =	ssyncadd.s32 $0xFFFF9000  }
0x2b: {  	[tilespmem:s2], [sflag:$0x1] =	stream.linear.gather [hbm4b:s3+s2], $0x7000, $0x38;
	[tilespmem:$0x7000] =	vst v63  }
0x2c: {  	_ =	swait.ge [sflag:s5], $0x7000  }
0x2d: {  	[sflag:s5] =	ssyncset.done $0x0  }
0x2e: {  	[sflag:s5] =	ssyncadd.s32 $0xFFFF9000  }
0x2f: {  	[hbm4b:s4+s2] =	stream.linear.scatter [tilespmem:s2], [sflag:$0x1], $0x7000, $0x38;
	[tilespmem:$0x7000] =	vst v63  }
0x30: {  	_ =	swait.ge [sflag:s5], $0x7000  }
0x31: {  	[sflag:s5] =	ssyncset.done $0x0  }
0x32: {  	[sflag:s5] =	ssyncadd.s32 $0xFFFF9000  }
0x33: {  	[tilespmem:s2], [sflag:$0x1] =	stream.linear.gather [hbm4b:s6+s2], $0x7000, $0x38;
	[tilespmem:$0x7000] =	vst v63  }
0x34: {  	_ =	swait.ge [sflag:s5], $0x7000  }
0x35: {  	[sflag:s5] =	ssyncset.done $0x0  }
0x36: {  	[sflag:s5] =	ssyncadd.s32 $0xFFFF9000  }
0x37: {  	[hbm4b:s8+s2] =	stream.linear.scatter [tilespmem:s2], [sflag:$0x1], $0x7000, $0x38;
	[tilespmem:$0x7000] =	vst v63  }
0x38: {  	_ =	swait.ge [sflag:s5], $0x7000  }
0x39: {  	[sflag:s5] =	ssyncset.done $0x0  }
0x3a: {  	[sflag:s5] =	ssyncadd.s32 $0xFFFF9000  }
0x3b: {  	[tilespmem:s2], [sflag:$0x1] =	stream.linear.gather [hbm4b:s9+s2], $0x7000, $0x38;
	[tilespmem:$0x7000] =	vst v63  }
0x3c: {  	_ =	swait.ge [sflag:s5], $0x7000  }
.Ltmp1:
0x3d: {  	[sflag:s5] =	ssyncset.done $0x0;
	(pc) =	sbr.rel @p0 .LBB2_1-.Ltmp1, $4  }
0x3e: {  	[sflag:s5] =	ssyncadd.s32 $0xFFFF9000  }
0x3f: {  	[hbm4b:s7+s2] =	stream.linear.scatter [tilespmem:s2], [sflag:$0x1], $0x7000, $0x38;
	[tilespmem:$0x7000] =	vst v63  }
0x40: {  	_ =	swait.ge [sflag:s5], $0x7000  }
0x41: {  	[sflag:s5] =	ssyncset.done $0x0  }
.LBB2_2:
0x42: {  	[sflag:s5] =	ssyncadd.s32 $0xFFFF9000  }
0x43: {  	_ =	sfence.sel $0x180000  }
0x44: {  	[bflag:$0x0] =	sbarrier.arrive $0xFFFF  }
0x45: {  	p0 =	sne.s32 s0, $0x0;
	_ =	strace $0x90000047  }
0x46: {  	s0 =	sadd.s32 @!p0 $0x100000, s1;
	[bflag:$0x2] =	sbarrier.arrive $0xFFFF  }
0x47: {  	[sflag:s0] =	ssyncadd.tile.s32 @!p0 $0x1;
	_ =	shalt  }
.Lfunc_end2:
_tile_overlayer_lowered:
.L_overlay_start_2:
0x48: {  	(tag) =	ssettag $0x2  }
0x49: {  	s0 =	rddreg [dreg:$0x0];
	s2 =	stileid.u32  }
0x4a: {  	s1 =	rddreg [dreg:$0x1];
	p0 =	sne.s32 s2, $0x0  }
0x4b: {  	s3 =	rddreg [dreg:$0x2];
	[bflag:$0x3] =	sbarrier.arrive $0xFFFF;
	s2 =	simm.s32 @!p0 $0x1C01  }
0x4c: {  	[timem:s3], [sflag:s2] =	dma.local @!p0 [hbm:s0], s1  }
0x4d: {  	s0 =	simm.s32 @!p0 $0x1  }
0x4e: {  	_ =	swait.ge @!p0 [sflag:s0], s1  }
0x4f: {  	s1 =	ssub.s32 @!p0 $0x0, s1;
	[sflag:s0] =	ssyncset.done @!p0 $0x0  }
0x50: {  	[sflag:s0] =	ssyncadd.s32 @!p0 s1  }
0x51: {  	[bflag:$0x3] =	sbarrier.arrive $0xFFFF  }
0x52: {  	_ =	shalt  }

</sc_bundles>
